<compile_context>
chip_gen: v7x
topology: tpu7x:2x2x1
jax: 0.10.2.dev20260603
libtpu: 0.0.44.dev20260713+nightly
codegen_flags: <defaults>
</compile_context>

<pallas_src>
import functools

import jax
import jax.numpy as jnp
from jax import lax
from jax.experimental import pallas as pl
from jax.experimental.pallas import tpu as pltpu
from jax.experimental.pallas import tpu_sc as plsc

EPS = 1e-12

NC = 2
NS = 16
NW = NC * NS

VPAD = 128
TBLK = 256


def _ln_table_body(t_ref, g_ref, b_ref, o_ref):
    t = t_ref[...]
    mean = jnp.mean(t, axis=1, keepdims=True)
    var = jnp.mean(jnp.square(t - mean), axis=1, keepdims=True)
    o_ref[...] = (t - mean) / jnp.sqrt(var + EPS) * g_ref[...] + b_ref[...]


def _normalize_table(table_p, gamma, beta):
    vp, h = table_p.shape
    return pl.pallas_call(
        _ln_table_body,
        out_shape=jax.ShapeDtypeStruct((vp, h), jnp.float32),
    )(table_p, gamma.reshape(1, h), beta.reshape(1, h))


def _make_sc_gather(nt, n_sc, d, chunk):
    bpw = n_sc // NW
    nch = bpw // chunk
    nbuf = min(2, nch)
    mesh = plsc.VectorSubcoreMesh(core_axis_name="c", subcore_axis_name="s")

    @functools.partial(
        pl.kernel,
        mesh=mesh,
        out_type=jax.ShapeDtypeStruct((nt, d), jnp.float32),
        scratch_types=[
            pltpu.VMEM((bpw,), jnp.int32),
        ] + [pltpu.VMEM((chunk, d), jnp.float32) for _ in range(nbuf)] + [
            pltpu.SemaphoreType.DMA,
            pltpu.SemaphoreType.DMA,
        ],
    )
    def gather_k(idx_hbm, table_hbm, out_hbm, idx_v, *rest):
        bufs, (gsem, ssem) = rest[:nbuf], rest[nbuf:]
        wid = lax.axis_index("s") * NC + lax.axis_index("c")
        base = wid * bpw
        pltpu.sync_copy(idx_hbm.at[pl.ds(base, bpw)], idx_v)

        def gath(c):
            return pltpu.async_copy(
                table_hbm.at[idx_v.at[pl.ds(c * chunk, chunk)]],
                bufs[c % nbuf], gsem)

        def scat(c):
            return pltpu.async_copy(
                bufs[c % nbuf], out_hbm.at[pl.ds(base + c * chunk, chunk)], ssem)

        hg = {c: gath(c) for c in range(nbuf)}
        hs = {}
        for c in range(nch):
            hg[c].wait()
            hs[c] = scat(c)
            if c + nbuf < nch:
                hs[c].wait()
                hg[c + nbuf] = gath(c + nbuf)
        for c in range(max(0, nch - nbuf), nch):
            hs[c].wait()

    return gather_k


def _tc_patch_body(ids_ref, tbl_ref, sc_ref, o_ref):
    del sc_ref
    ids = ids_ref[0, 0, :]
    onehot = (ids[:, None] == lax.broadcasted_iota(jnp.int32, (1, VPAD), 1)
              ).astype(jnp.float32)
    o_ref[...] = jax.lax.dot_general(
        onehot, tbl_ref[...], (((1,), (0,)), ((), ())),
        preferred_element_type=jnp.float32)


def _tc_patch(nt, n_sc, d, ids3, normed, sc_out):
    nblk = (nt - n_sc) // TBLK
    blk0 = n_sc // TBLK
    return pl.pallas_call(
        _tc_patch_body,
        grid=(nblk,),
        in_specs=[
            pl.BlockSpec((1, 1, TBLK), lambda i: (blk0 + i, 0, 0)),
            pl.BlockSpec((VPAD, d), lambda i: (0, 0)),
            pl.BlockSpec((TBLK, d), lambda i: (blk0 + i, 0)),
        ],
        out_specs=pl.BlockSpec((TBLK, d), lambda i: (blk0 + i, 0)),
        out_shape=jax.ShapeDtypeStruct((nt, d), jnp.float32),
        input_output_aliases={2: 0},
    )(ids3, normed, sc_out)


def kernel(input_ids, table, ln_gamma, ln_beta):
    b, s = input_ids.shape
    v, h = table.shape
    nt = b * s
    n_sc = nt // 2

    table_p = jnp.pad(table, ((0, VPAD - v), (0, 0)))
    normed = _normalize_table(table_p, ln_gamma, ln_beta)

    chunk = 64
    ids_flat = input_ids.reshape(nt).astype(jnp.int32)
    sc_out = _make_sc_gather(nt, n_sc, h, chunk)(ids_flat, normed)

    ids3 = ids_flat.reshape(nt // TBLK, 1, TBLK)
    out = _tc_patch(nt, n_sc, h, ids3, normed, sc_out)
    return out.reshape(b, s, h)

# --- scband reference (transcript-rebuilt; emitter-appended) ---
"""Pipeline reference for scband-codon-embedding-83485574300358 (READ-ONLY COPY).

The authoritative reference and input builder live on the scoring server;
editing this copy changes nothing except your own understanding.
"""

import jax, jax.numpy as jnp
import numpy as np

VOCAB = 69
HIDDEN = 768
PAD_ID = 3
EPS = 1e-12
B, S = 4, 2048

def setup_inputs(seed: int = 0) -> dict:
    key = jax.random.key(seed)
    k1, k2 = jax.random.split(key)
    input_ids = jax.random.randint(k1, (B, S), 0, VOCAB, dtype=jnp.int64 if jax.config.jax_enable_x64 else jnp.int32)
    table = jax.random.normal(k2, (VOCAB, HIDDEN), dtype=jnp.float32) * 0.02
    table = table.at[PAD_ID].set(0.0)  # padding_idx row zeroed like nn.Embedding
    ln_gamma = jnp.ones((HIDDEN,), dtype=jnp.float32)
    ln_beta = jnp.zeros((HIDDEN,), dtype=jnp.float32)
    return {"input_ids": input_ids, "table": table, "ln_gamma": ln_gamma, "ln_beta": ln_beta}

def reference(input_ids, table, ln_gamma, ln_beta):
    # embedding lookup (gather)
    emb = jnp.take(table, input_ids, axis=0)  # [B, S, H]
    # LayerNorm over last dim
    mean = jnp.mean(emb, axis=-1, keepdims=True)
    var = jnp.mean(jnp.square(emb - mean), axis=-1, keepdims=True)
    normed = (emb - mean) / jnp.sqrt(var + EPS)
    out = normed * ln_gamma + ln_beta
    # dropout is identity in eval mode
    return out

if __name__ == "__main__":
    import jax
    _d = setup_inputs()
    print(jax.jit(kernel)(*tuple(_d.values())))

</pallas_src>

<mosaic_0001>
#map = affine_map<(d0, d1) -> (0)>
#map1 = affine_map<(d0, d1) -> (0, 0)>
module attributes {stable_mosaic.version = 14 : i64} {
  func.func @gather_k(%arg0: i32, %arg1: i32, %arg2: memref<8192xi32, #tpu.memory_space<hbm>>, %arg3: memref<128x768xf32, #tpu.memory_space<hbm>>, %arg4: memref<8192x768xf32, #tpu.memory_space<hbm>>, %arg5: memref<128xi32, #tpu.memory_space<vmem>>, %arg6: memref<64x768xf32, #tpu.memory_space<vmem>>, %arg7: memref<64x768xf32, #tpu.memory_space<vmem>>, %arg8: memref<!tpu.dma_semaphore, #tpu.memory_space<semaphore_mem>>, %arg9: memref<!tpu.dma_semaphore, #tpu.memory_space<semaphore_mem>>) attributes {dimension_semantics = [#tpu.dimension_semantics<core_parallel>, #tpu.dimension_semantics<subcore_parallel>], iteration_bounds = array<i64: 2, 16>, scalar_prefetch = 0 : i64, scratch_operands = 5 : i64, tpu.core_type = #tpu.core_type<sc_vector_subcore>, window_params = [{transform_indices = #map}, {transform_indices = #map1}, {transform_indices = #map1}]} {
    %mul3A = arith.constant 2 : i32
    %mul3A_0 = arith.muli %arg1, %mul3A : i32
    %add3A = arith.addi %mul3A_0, %arg0 : i32
    %mul3A_1 = arith.constant 128 : i32
    %mul3A_2 = arith.muli %add3A, %mul3A_1 : i32
    "tpu.region"() ({
      %run_scoped3A = tpu.sem_alloc : memref<!tpu.dma_semaphore, #tpu.memory_space<semaphore_mem>>
      %dma_start3A_41 = tpu.memref_slice %arg2[%mul3A_2] : memref<8192xi32, #tpu.memory_space<hbm>> -> memref<128xi32, #tpu.memory_space<hbm>>
      %dma_start3A_42 = tpu.memref_slice %arg2[%mul3A_2] : memref<8192xi32, #tpu.memory_space<hbm>> -> memref<128xi32, #tpu.memory_space<hbm>>
      tpu.enqueue_dma source(%dma_start3A_42 : memref<128xi32, #tpu.memory_space<hbm>>) target(%arg5 : memref<128xi32, #tpu.memory_space<vmem>>) target_semaphore(%run_scoped3A : memref<!tpu.dma_semaphore, #tpu.memory_space<semaphore_mem>>)
      %dma_wait3A_43 = tpu.memref_slice %arg2[%mul3A_2] : memref<8192xi32, #tpu.memory_space<hbm>> -> memref<128xi32, #tpu.memory_space<hbm>>
      %dma_wait3A_44 = tpu.memref_slice %arg2[%mul3A_2] : memref<8192xi32, #tpu.memory_space<hbm>> -> memref<128xi32, #tpu.memory_space<hbm>>
      tpu.wait_dma2 semaphore(%run_scoped3A : memref<!tpu.dma_semaphore, #tpu.memory_space<semaphore_mem>>) src(%dma_wait3A_44 : memref<128xi32, #tpu.memory_space<hbm>>) dst(%arg5 : memref<128xi32, #tpu.memory_space<vmem>>)
      tpu.yield
    }) : () -> ()
    %dma_start3A = arith.constant 0 : i32
    %dma_start3A_3 = tpu.memref_slice %arg5[%dma_start3A] : memref<128xi32, #tpu.memory_space<vmem>> -> memref<64xi32, #tpu.memory_space<vmem>>
    %dma_start3A_4 = arith.constant 0 : i32
    %dma_start3A_5 = arith.constant 0 : i32
    %dma_start3A_6 = tpu.memref_slice %arg3[%dma_start3A_4, %dma_start3A_5] : memref<128x768xf32, #tpu.memory_space<hbm>> -> memref<128x768xf32, #tpu.memory_space<hbm>>
    tpu.enqueue_indirect_dma source(%dma_start3A_6 : memref<128x768xf32, #tpu.memory_space<hbm>>) target(%arg6 : memref<64x768xf32, #tpu.memory_space<vmem>>) offsets(%dma_start3A_3 : memref<64xi32, #tpu.memory_space<vmem>>) semaphore(%arg8 : memref<!tpu.dma_semaphore, #tpu.memory_space<semaphore_mem>>)
    %dma_start3A_7 = arith.constant 64 : i32
    %dma_start3A_8 = tpu.memref_slice %arg5[%dma_start3A_7] : memref<128xi32, #tpu.memory_space<vmem>> -> memref<64xi32, #tpu.memory_space<vmem>>
    %dma_start3A_9 = arith.constant 0 : i32
    %dma_start3A_10 = arith.constant 0 : i32
    %dma_start3A_11 = tpu.memref_slice %arg3[%dma_start3A_9, %dma_start3A_10] : memref<128x768xf32, #tpu.memory_space<hbm>> -> memref<128x768xf32, #tpu.memory_space<hbm>>
    tpu.enqueue_indirect_dma source(%dma_start3A_11 : memref<128x768xf32, #tpu.memory_space<hbm>>) target(%arg7 : memref<64x768xf32, #tpu.memory_space<vmem>>) offsets(%dma_start3A_8 : memref<64xi32, #tpu.memory_space<vmem>>) semaphore(%arg8 : memref<!tpu.dma_semaphore, #tpu.memory_space<semaphore_mem>>)
    %dma_wait3A = arith.constant 0 : i32
    %dma_wait3A_12 = tpu.memref_slice %arg5[%dma_wait3A] : memref<128xi32, #tpu.memory_space<vmem>> -> memref<64xi32, #tpu.memory_space<vmem>>
    %dma_wait3A_13 = arith.constant 0 : i32
    %dma_wait3A_14 = arith.constant 0 : i32
    %dma_wait3A_15 = tpu.memref_slice %arg3[%dma_wait3A_13, %dma_wait3A_14] : memref<128x768xf32, #tpu.memory_space<hbm>> -> memref<128x768xf32, #tpu.memory_space<hbm>>
    tpu.wait_indirect_dma semaphore(%arg8 : memref<!tpu.dma_semaphore, #tpu.memory_space<semaphore_mem>>) src(%dma_wait3A_15 : memref<128x768xf32, #tpu.memory_space<hbm>>) dst(%arg6 : memref<64x768xf32, #tpu.memory_space<vmem>>)
    %add3A_16 = arith.constant 0 : i32
    %add3A_17 = arith.addi %mul3A_2, %add3A_16 : i32
    %dma_start3A_18 = arith.constant 0 : i32
    %dma_start3A_19 = tpu.memref_slice %arg4[%add3A_17, %dma_start3A_18] : memref<8192x768xf32, #tpu.memory_space<hbm>> -> memref<64x768xf32, #tpu.memory_space<hbm>>
    %dma_start3A_20 = arith.constant 0 : i32
    %dma_start3A_21 = tpu.memref_slice %arg4[%add3A_17, %dma_start3A_20] : memref<8192x768xf32, #tpu.memory_space<hbm>> -> memref<64x768xf32, #tpu.memory_space<hbm>>
    tpu.enqueue_dma source(%arg6 : memref<64x768xf32, #tpu.memory_space<vmem>>) target(%dma_start3A_21 : memref<64x768xf32, #tpu.memory_space<hbm>>) target_semaphore(%arg9 : memref<!tpu.dma_semaphore, #tpu.memory_space<semaphore_mem>>)
    %dma_wait3A_22 = arith.constant 64 : i32
    %dma_wait3A_23 = tpu.memref_slice %arg5[%dma_wait3A_22] : memref<128xi32, #tpu.memory_space<vmem>> -> memref<64xi32, #tpu.memory_space<vmem>>
    %dma_wait3A_24 = arith.constant 0 : i32
    %dma_wait3A_25 = arith.constant 0 : i32
    %dma_wait3A_26 = tpu.memref_slice %arg3[%dma_wait3A_24, %dma_wait3A_25] : memref<128x768xf32, #tpu.memory_space<hbm>> -> memref<128x768xf32, #tpu.memory_space<hbm>>
    tpu.wait_indirect_dma semaphore(%arg8 : memref<!tpu.dma_semaphore, #tpu.memory_space<semaphore_mem>>) src(%dma_wait3A_26 : memref<128x768xf32, #tpu.memory_space<hbm>>) dst(%arg7 : memref<64x768xf32, #tpu.memory_space<vmem>>)
    %add3A_27 = arith.constant 64 : i32
    %add3A_28 = arith.addi %mul3A_2, %add3A_27 : i32
    %dma_start3A_29 = arith.constant 0 : i32
    %dma_start3A_30 = tpu.memref_slice %arg4[%add3A_28, %dma_start3A_29] : memref<8192x768xf32, #tpu.memory_space<hbm>> -> memref<64x768xf32, #tpu.memory_space<hbm>>
    %dma_start3A_31 = arith.constant 0 : i32
    %dma_start3A_32 = tpu.memref_slice %arg4[%add3A_28, %dma_start3A_31] : memref<8192x768xf32, #tpu.memory_space<hbm>> -> memref<64x768xf32, #tpu.memory_space<hbm>>
    tpu.enqueue_dma source(%arg7 : memref<64x768xf32, #tpu.memory_space<vmem>>) target(%dma_start3A_32 : memref<64x768xf32, #tpu.memory_space<hbm>>) target_semaphore(%arg9 : memref<!tpu.dma_semaphore, #tpu.memory_space<semaphore_mem>>)
    %dma_wait3A_33 = arith.constant 0 : i32
    %dma_wait3A_34 = tpu.memref_slice %arg4[%add3A_17, %dma_wait3A_33] : memref<8192x768xf32, #tpu.memory_space<hbm>> -> memref<64x768xf32, #tpu.memory_space<hbm>>
    %dma_wait3A_35 = arith.constant 0 : i32
    %dma_wait3A_36 = tpu.memref_slice %arg4[%add3A_17, %dma_wait3A_35] : memref<8192x768xf32, #tpu.memory_space<hbm>> -> memref<64x768xf32, #tpu.memory_space<hbm>>
    tpu.wait_dma2 semaphore(%arg9 : memref<!tpu.dma_semaphore, #tpu.memory_space<semaphore_mem>>) src(%arg6 : memref<64x768xf32, #tpu.memory_space<vmem>>) dst(%dma_wait3A_36 : memref<64x768xf32, #tpu.memory_space<hbm>>)
    %dma_wait3A_37 = arith.constant 0 : i32
    %dma_wait3A_38 = tpu.memref_slice %arg4[%add3A_28, %dma_wait3A_37] : memref<8192x768xf32, #tpu.memory_space<hbm>> -> memref<64x768xf32, #tpu.memory_space<hbm>>
    %dma_wait3A_39 = arith.constant 0 : i32
    %dma_wait3A_40 = tpu.memref_slice %arg4[%add3A_28, %dma_wait3A_39] : memref<8192x768xf32, #tpu.memory_space<hbm>> -> memref<64x768xf32, #tpu.memory_space<hbm>>
    tpu.wait_dma2 semaphore(%arg9 : memref<!tpu.dma_semaphore, #tpu.memory_space<semaphore_mem>>) src(%arg7 : memref<64x768xf32, #tpu.memory_space<vmem>>) dst(%dma_wait3A_40 : memref<64x768xf32, #tpu.memory_space<hbm>>)
    return
  }
}

module attributes {stable_mosaic.version = 14 : i64} {
  func.func @_ln_table_body(%arg0: memref<128x768xf32, #tpu.memory_space<vmem>>, %arg1: memref<1x768xf32, #tpu.memory_space<vmem>>, %arg2: memref<1x768xf32, #tpu.memory_space<vmem>>, %arg3: memref<128x768xf32, #tpu.memory_space<vmem>>) attributes {dimension_semantics = [], scalar_prefetch = 0 : i64, scratch_operands = 0 : i64, tpu.core_type = #tpu.core_type<tc>} {
    %get3A = arith.constant 0 : index
    %get3A_0 = arith.constant 0 : index
    %get3A_1 = vector.load %arg0[%get3A, %get3A_0] : memref<128x768xf32, #tpu.memory_space<vmem>>, vector<128x768xf32>
    %reduce_sum3A = arith.constant dense<0.000000e+00> : vector<128xf32>
    %reduce_sum3A_2 = vector.multi_reduction <add>, %get3A_1, %reduce_sum3A [1] : vector<128x768xf32> to vector<128xf32>
    %broadcast_in_dim3A = vector.shape_cast %reduce_sum3A_2 : vector<128xf32> to vector<128x1xf32>
    %div3A = arith.constant 7.680000e+02 : f32
    %div3A_3 = vector.broadcast %div3A : f32 to vector<128x1xf32>
    %div3A_4 = arith.divf %broadcast_in_dim3A, %div3A_3 : vector<128x1xf32>
    %sub3A = vector.broadcast %div3A_4 : vector<128x1xf32> to vector<128x768xf32>
    %sub3A_5 = arith.subf %get3A_1, %sub3A : vector<128x768xf32>
    %square3A = arith.mulf %sub3A_5, %sub3A_5 : vector<128x768xf32>
    %reduce_sum3A_6 = arith.constant dense<0.000000e+00> : vector<128xf32>
    %reduce_sum3A_7 = vector.multi_reduction <add>, %square3A, %reduce_sum3A_6 [1] : vector<128x768xf32> to vector<128xf32>
    %broadcast_in_dim3A_8 = vector.shape_cast %reduce_sum3A_7 : vector<128xf32> to vector<128x1xf32>
    %div3A_9 = arith.constant 7.680000e+02 : f32
    %div3A_10 = vector.broadcast %div3A_9 : f32 to vector<128x1xf32>
    %div3A_11 = arith.divf %broadcast_in_dim3A_8, %div3A_10 : vector<128x1xf32>
    %sub3A_12 = vector.broadcast %div3A_4 : vector<128x1xf32> to vector<128x768xf32>
    %sub3A_13 = arith.subf %get3A_1, %sub3A_12 : vector<128x768xf32>
    %add3A = arith.constant 9.99999996E-13 : f32
    %add3A_14 = vector.broadcast %add3A : f32 to vector<128x1xf32>
    %add3A_15 = arith.addf %div3A_11, %add3A_14 : vector<128x1xf32>
    %sqrt3A = math.sqrt %add3A_15 : vector<128x1xf32>
    %div3A_16 = vector.broadcast %sqrt3A : vector<128x1xf32> to vector<128x768xf32>
    %div3A_17 = arith.divf %sub3A_13, %div3A_16 : vector<128x768xf32>
    %get3A_18 = arith.constant 0 : index
    %get3A_19 = arith.constant 0 : index
    %get3A_20 = vector.load %arg1[%get3A_18, %get3A_19] : memref<1x768xf32, #tpu.memory_space<vmem>>, vector<1x768xf32>
    %mul3A = vector.broadcast %get3A_20 : vector<1x768xf32> to vector<128x768xf32>
    %mul3A_21 = arith.mulf %div3A_17, %mul3A : vector<128x768xf32>
    %get3A_22 = arith.constant 0 : index
    %get3A_23 = arith.constant 0 : index
    %get3A_24 = vector.load %arg2[%get3A_22, %get3A_23] : memref<1x768xf32, #tpu.memory_space<vmem>>, vector<1x768xf32>
    %add3A_25 = vector.broadcast %get3A_24 : vector<1x768xf32> to vector<128x768xf32>
    %add3A_26 = arith.addf %mul3A_21, %add3A_25 : vector<128x768xf32>
    %swap3A = arith.constant 0 : index
    %swap3A_27 = arith.constant 0 : index
    %swap3A_28 = vector.load %arg3[%swap3A, %swap3A_27] : memref<128x768xf32, #tpu.memory_space<vmem>>, vector<128x768xf32>
    tpu.vector_store %arg3[%swap3A, %swap3A_27], %add3A_26 {strides = array<i32>} : memref<128x768xf32, #tpu.memory_space<vmem>>, vector<128x768xf32>,
    return
  }
}

module attributes {stable_mosaic.version = 14 : i64} {
  func.func @_tc_patch_body(%arg0: i32, %arg1: memref<1x1x256xi32, #tpu.memory_space<vmem>>, %arg2: memref<128x768xf32, #tpu.memory_space<vmem>>, %arg3: memref<256x768xf32, #tpu.memory_space<vmem>>, %arg4: memref<256x768xf32, #tpu.memory_space<vmem>>) attributes {dimension_semantics = [#tpu.dimension_semantics<arbitrary>], iteration_bounds = array<i64: 16>, scalar_prefetch = 0 : i64, scratch_operands = 0 : i64, tpu.core_type = #tpu.core_type<tc>, window_params = [{transform_indices = @transform_0, window_bounds = array<i64: 1, 1, 256>}, {pipeline_mode = #tpu.pipeline_mode<synchronous>, transform_indices = @transform_1, window_bounds = array<i64: 128, 768>}, {transform_indices = @transform_2, window_bounds = array<i64: 256, 768>}, {transform_indices = @transform_3, window_bounds = array<i64: 256, 768>}]} {
    %get3A = arith.constant 0 : index
    %get3A_0 = arith.constant 0 : index
    %get3A_1 = arith.constant 0 : index
    %get3A_2 = vector.load %arg1[%get3A, %get3A_0, %get3A_1] : memref<1x1x256xi32, #tpu.memory_space<vmem>>, vector<1x1x256xi32>
    %get3A_3 = vector.shape_cast %get3A_2 : vector<1x1x256xi32> to vector<256xi32>
    %broadcast_in_dim3A = vector.shape_cast %get3A_3 : vector<256xi32> to vector<256x1xi32>
    %iota3A = tpu.iota {dimensions = array<i32: 1>} : vector<1x128xi32>
    %eq3A = vector.broadcast %broadcast_in_dim3A : vector<256x1xi32> to vector<256x128xi32>
    %eq3A_4 = vector.broadcast %iota3A : vector<1x128xi32> to vector<256x128xi32>
    %eq3A_5 = arith.cmpi eq, %eq3A, %eq3A_4 : vector<256x128xi32>
    %convert_element_type3A = arith.extui %eq3A_5 : vector<256x128xi1> to vector<256x128xi32>
    %convert_element_type3A_6 = arith.sitofp %convert_element_type3A : vector<256x128xi32> to vector<256x128xf32>
    %get3A_7 = arith.constant 0 : index
    %get3A_8 = arith.constant 0 : index
    %get3A_9 = vector.load %arg2[%get3A_7, %get3A_8] : memref<128x768xf32, #tpu.memory_space<vmem>>, vector<128x768xf32>
    %dot_general3A = arith.constant dense<0.000000e+00> : vector<256x768xf32>
    %dot_general3A_10 = tpu.matmul %convert_element_type3A_6, %get3A_9, %dot_general3A {dimension_numbers = #tpu.dot_dimension_numbers<[1], [0], [0], [1], [0, 0, 1, 1], [], []>, transpose_lhs_hint = false} : vector<256x128xf32>, vector<128x768xf32>, vector<256x768xf32> -> vector<256x768xf32>
    %swap3A = arith.constant 0 : index
    %swap3A_11 = arith.constant 0 : index
    %swap3A_12 = vector.load %arg4[%swap3A, %swap3A_11] : memref<256x768xf32, #tpu.memory_space<vmem>>, vector<256x768xf32>
    tpu.vector_store %arg4[%swap3A, %swap3A_11], %dot_general3A_10 {strides = array<i32>} : memref<256x768xf32, #tpu.memory_space<vmem>>, vector<256x768xf32>,
    return
  }
  func.func @transform_0(%arg0: i32) -> (i32, i32, i32) {
    %add3A = arith.constant 16 : i32
    %add3A_0 = arith.addi %add3A, %arg0 : i32
    %c0_i32 = arith.constant 0 : i32
    %c0_i32_1 = arith.constant 0 : i32
    %c0_i32_2 = arith.constant 0 : i32
    return %add3A_0, %c0_i32, %c0_i32_1 : i32, i32, i32
  }
  func.func @transform_1(%arg0: i32) -> (i32, i32) {
    %c0_i32 = arith.constant 0 : i32
    %c0_i32_0 = arith.constant 0 : i32
    %c0_i32_1 = arith.constant 0 : i32
    return %c0_i32, %c0_i32_0 : i32, i32
  }
  func.func @transform_2(%arg0: i32) -> (i32, i32) {
    %add3A = arith.constant 16 : i32
    %add3A_0 = arith.addi %add3A, %arg0 : i32
    %c0_i32 = arith.constant 0 : i32
    %c0_i32_1 = arith.constant 0 : i32
    return %add3A_0, %c0_i32 : i32, i32
  }
  func.func @transform_3(%arg0: i32) -> (i32, i32) {
    %add3A = arith.constant 16 : i32
    %add3A_0 = arith.addi %add3A, %arg0 : i32
    %c0_i32 = arith.constant 0 : i32
    %c0_i32_1 = arith.constant 0 : i32
    return %add3A_0, %c0_i32 : i32, i32
  }
}

</mosaic_0001>

<sc_bundles>
// kernel: kernel.5.cloned.1.call-start
scs
__scs_entry_jumppad:
0x0: {  	(pc) =	sbr.rel $0x88, $3  }
0x1: {  	(tag) =	ssettag $0x0;
	lr =	simm.s32 $0x1  }
0x2: {  	[smem:$0x3F9D] =	sst lr;
	_ =	strace $0xD0000000  }
0x3: {  	_ = 	snop  }
0x4: {  	_ = 	snop  }
0x5: {  	_ = 	snop  }
0x6: {  	_ = 	snop  }
0x7: {  	_ = 	snop  }
__scs_overlays_trampoline_lowered:
0x8: {  	[smem:$0x3FAC] =	sst s0  }
0x9: {  	[smem:$0x3FAD] =	sst s1  }
0xa: {  	[smem:$0x3FAE] =	sst s2  }
0xb: {  	[smem:$0x3FAF] =	sst s3  }
0xc: {  	[smem:$0x3FB0] =	sst s4  }
0xd: {  	[smem:$0x3FB1] =	sst s5  }
0xe: {  	[smem:$0x3FB2] =	sst s6  }
0xf: {  	[smem:$0x3FB3] =	sst s7  }
0x10: {  	[smem:$0x3FB4] =	sst s8  }
0x11: {  	[smem:$0x3FB5] =	sst s9;
	s0 =	simm.s32 @!p0 $0x0  }
0x12: {  	s1 =	sld [smem:$0x3F9B];
	s0 =	simm.s32 @p0 $0x1  }
0x13: {  	[smem:$0x3FB6] =	sst s0;
	s0 =	simm.s32 @!p1 $0x0  }
0x14: {  	s2 =	sld [smem:$0x3F9A];
	s0 =	simm.s32 @p1 $0x1  }
0x15: {  	[smem:$0x3FB7] =	sst s0;
	s0 =	simm.s32 @!p2 $0x0  }
0x16: {  	s3 =	sld [smem:$0x3FDB];
	s0 =	simm.s32 @p2 $0x1  }
0x17: {  	s4 =	simm.s32 $0x1BF5;
	[smem:$0x3FB9] =	sst s0  }
0x18: {  	s0 =	sld [smem:$0x3F9C];
	_ =	swait.ge [sflag:s4], $0x0  }
0x19: {  	s7 =	sld [smem:$0x3F9D]  }
0x1a: {  	s8 =	sadd.s32 $0xFFFFE003, lr  }
0x1b: {  	s9 =	sadd.s32 $0xFFFFFEF7, lr;
	s5 =	simm.s32 $0xFFFFFFFF;
	p2 =	slt.u32 s8, $0xFFFFF086  }
0x1c: {  	p1 =	slt.u32 s9, $0xF7A;
	s5 =	simm.s32 @!p2 $0x0  }
0x1d: {  	s5 =	simm.s32 @p1 $0x1;
	p0 =	seq.s32 s7, s2  }
0x1e: {  	s7 =	smul.u32 @!p0 $0xF7A, s2;
	p2 =	seq.s32 @!p0 s5, $0x0  }
0x1f: {  	s9 =	smul.u32 $0xF7A, s1;
	s8 =	simm.s32 @!p0 $0x1BF5;
	p2 =	por !p2, p0  }
0x20: {  	[sflag:s8] =	ssyncset.s32 @!p0 $0xFFFFF086;
	s6 =	sadd.s32 @!p0 s3, s7;
	s7 =	simm.s32 @!p0 $0x108  }
0x21: {  	s3 =	sadd.s32 s3, s9;
	s6 =	sadd.s32 @!p0 $0x88, s6;
	s7 =	simm.s32 @p2 $0x1082  }
0x22: {  	[simem:s7], [sflag:s8] =	dma.local @!p0 [hbm:s6], $0xF7A  }
0x23: {  	s9 =	sor.u32 $0xD0000000, s2;
	s6 =	simm.s32 $0x108;
	_ =	swait.ge @!p0 [sflag:s8], $0x0  }
0x24: {  	s3 =	sadd.s32 $0x88, s3;
	s6 =	simm.s32 @!p1 $0x1082;
	[sflag:s4] =	ssyncset.s32 $0xFFFFF086  }
0x25: {  	[simem:s6], [sflag:s4] =	dma.local [hbm:s3], $0xF7A  }
0x26: {  	[smem:$0x3F9D] =	sst s1;
	(tag) =	ssettag s2;
	_ =	strace s9  }
0x27: {  	s1 =	sld [smem:$0x3FAD]  }
0x28: {  	s2 =	sld [smem:$0x3FAE]  }
0x29: {  	s4 =	sld [smem:$0x3FB0]  }
0x2a: {  	p0 =	seq.s32 s5, $0x0;
	s5 =	sld [smem:$0x3FB1]  }
0x2b: {  	s6 =	sld [smem:$0x3FB2]  }
0x2c: {  	s7 =	sld [smem:$0x3FB3]  }
0x2d: {  	s3 =	simm.s32 $0x108;
	s8 =	sld [smem:$0x3FB4]  }
0x2e: {  	s3 =	simm.s32 @!p0 $0x1082;
	s9 =	sld [smem:$0x3FB5]  }
0x2f: {  	lr =	sadd.s32 s0, s3;
	s0 =	sld [smem:$0x3FAC]  }
0x30: {  	s3 =	sld [smem:$0x3FAF]  }
0x31: {  	[smem:$0x3FB8] =	sst s10  }
0x32: {  	s10 =	sld [smem:$0x3FB6];
	_ =	sdelay $0x3  }
0x33: {  	p0 =	seq.s32 s10, $0x1;
	s10 =	sld [smem:$0x3FB8];
	_ =	sdelay $0x3  }
0x34: {  	[smem:$0x3FB8] =	sst s10  }
0x35: {  	s10 =	sld [smem:$0x3FB7];
	_ =	sdelay $0x3  }
0x36: {  	p1 =	seq.s32 s10, $0x1;
	s10 =	sld [smem:$0x3FB8];
	_ =	sdelay $0x3  }
0x37: {  	[smem:$0x3FB8] =	sst s10  }
0x38: {  	s10 =	sld [smem:$0x3FB9]  }
0x39: {  	_ = 	snop;
	(pc) =	sbr.ind lr, $3  }
0x3a: {  	_ = 	snop  }
0x3b: {  	_ = 	snop  }
0x3c: {  	p2 =	seq.s32 s10, $0x1;
	s10 =	sld [smem:$0x3FB8]  }
0x3d: {  	_ =	shalt  }
0x3e: {  	_ =	shalt  }
0x3f: {  	_ =	shalt  }
0x40: {  	_ =	shalt  }
0x41: {  	_ =	shalt  }
0x42: {  	_ =	shalt  }
0x43: {  	_ =	shalt  }
0x44: {  	_ =	shalt  }
0x45: {  	_ =	shalt  }
0x46: {  	_ =	shalt  }
0x47: {  	_ =	shalt  }
0x48: {  	_ =	shalt  }
0x49: {  	_ =	shalt  }
0x4a: {  	_ =	shalt  }
0x4b: {  	_ =	shalt  }
0x4c: {  	_ =	shalt  }
0x4d: {  	_ =	shalt  }
0x4e: {  	_ =	shalt  }
0x4f: {  	_ =	shalt  }
0x50: {  	_ =	shalt  }
0x51: {  	_ =	shalt  }
0x52: {  	_ =	shalt  }
0x53: {  	_ =	shalt  }
0x54: {  	_ =	shalt  }
0x55: {  	_ =	shalt  }
0x56: {  	_ =	shalt  }
0x57: {  	_ =	shalt  }
0x58: {  	_ =	shalt  }
0x59: {  	_ =	shalt  }
0x5a: {  	_ =	shalt  }
0x5b: {  	_ =	shalt  }
0x5c: {  	_ =	shalt  }
0x5d: {  	_ =	shalt  }
0x5e: {  	_ =	shalt  }
0x5f: {  	_ =	shalt  }
0x60: {  	_ =	shalt  }
0x61: {  	_ =	shalt  }
0x62: {  	_ =	shalt  }
0x63: {  	_ =	shalt  }
0x64: {  	_ =	shalt  }
0x65: {  	_ =	shalt  }
0x66: {  	_ =	shalt  }
0x67: {  	_ =	shalt  }
0x68: {  	_ =	shalt  }
0x69: {  	_ =	shalt  }
0x6a: {  	_ =	shalt  }
0x6b: {  	_ =	shalt  }
0x6c: {  	_ =	shalt  }
0x6d: {  	_ =	shalt  }
0x6e: {  	_ =	shalt  }
0x6f: {  	_ =	shalt  }
0x70: {  	_ =	shalt  }
0x71: {  	_ =	shalt  }
0x72: {  	_ =	shalt  }
0x73: {  	_ =	shalt  }
0x74: {  	_ =	shalt  }
0x75: {  	_ =	shalt  }
0x76: {  	_ =	shalt  }
0x77: {  	_ =	shalt  }
0x78: {  	_ =	shalt  }
0x79: {  	_ =	shalt  }
0x7a: {  	_ =	shalt  }
0x7b: {  	_ =	shalt  }
0x7c: {  	_ =	shalt  }
0x7d: {  	_ =	shalt  }
0x7e: {  	_ =	shalt  }
0x7f: {  	_ =	shalt  }
0x80: {  	_ =	shalt  }
0x81: {  	_ =	shalt  }
0x82: {  	_ =	shalt  }
0x83: {  	_ =	shalt  }
0x84: {  	_ =	shalt  }
0x85: {  	_ =	shalt  }
0x86: {  	_ =	shalt  }
0x87: {  	_ =	shalt  }
.Lfunc_end0:
.L_simem_size_0:
called_computation_lowered:
.L_overlay_start_0:
0x88: {  	s2 =	sld [smem:$0x3FD9]  }
0x89: {  	s3 =	sld [smem:$0x3FFE];
	_ =	sdelay $0x1  }
0x8a: {  	s1 =	srdreg.scid  }
0x8b: {  	s0 =	sand.u32 $0x1, s1  }
0x8c: {  	s17 =	sshll.u32 s0, $0xA;
	s2 =	sadd.s32 s3, s2  }
0x8d: {  	s2 =	sadd.s32 s2, s17  }
0x8e: {  	[smem:$0x3FC4] =	sst s2  }
0x8f: {  	_ = 	snop  }
0x90: {  	s2 =	sld [smem:$0x3FD0];
	(tm) =	ssettm $0x1  }
0x91: {  	s18 =	sld [smem:$0x3FFB];
	_ =	sdelay $0x3  }
0x92: {  	_ =	strace s18  }
0x93: {  	s3 =	sld [smem:$0x3FFC];
	_ =	sdelay $0x3  }
0x94: {  	_ =	strace s3  }
0x95: {  	s3 =	sld [smem:$0x3FFD];
	_ =	sdelay $0x3  }
0x96: {  	_ =	strace s3  }
0x97: {  	_ =	strace $0x8FFFFFFF  }
0x98: {  	s19 =	sld [smem:$0x3FDB];
	_ =	sdelay $0x1  }
0x99: {  	s4 =	simm.s32 $_scs_section_size  }
0x9a: {  	s5 =	simm.s32 $_size__tile_overlayer_lowered;
	s6 =	simm.s32 $_tile_overlayer_lowered  }
0x9b: {  	s22 =	simm.s32 $0x1BFF;
	s21 =	sshll.u32 s6, $0x1;
	s3 =	sadd.s32 s4, s19  }
0x9c: {  	s7 =	simm.s32 $0x0;
	s20 =	sshll.u32 s5, $0x1;
	s5 =	sadd.s32 s21, s3  }
0x9d: {  	[timem:s7], [sflag:s22] =	dma.local [hbm:s5], s20  }
0x9e: {  	_ =	swait.ge [sflag:s22], s20  }
0x9f: {  	s4 =	ssub.s32 $0x0, s20;
	[sflag:s22] =	ssyncset.done $0x0  }
0xa0: {  	[sflag:s22] =	ssyncadd.s32 s4;
	_ =	sdelay $0x1  }
0xa1: {  	s23 =	simm.s32 $0x1B8B  }
0xa2: {  	_ =	swait.ge [sflag:s23], $0x1  }
0xa3: {  	[sflag:s23] =	ssyncset.done $0x0  }
0xa4: {  	s25 =	simm.s32 $0x1B8E;
	s24 =	sld [smem:$0x3FFE];
	[sflag:s23] =	ssyncadd.s32 $0xFFFFFFFF  }
0xa5: {  	s26 =	simm.s32 $execute0_lowered;
	[smem:$0x3FD2] =	sst s25  }
0xa6: {  	s5 =	sshll.u32 s26, $0x1;
	_ =	strace $0x80000046;
	[dreg:$0x1] =	wrdreg $0xFFFFFFFF  }
0xa7: {  	s28 =	simm.s32 $_size_execute0_lowered;
	s3 =	sadd.s32 s3, s5;
	[dreg:$0x0] =	wrdreg $0x0  }
0xa8: {  	s5 =	sshll.u32 s28, $0x1;
	[dreg:$0x2] =	wrdreg s3  }
0xa9: {  	[dreg:$0x3] =	wrdreg s5  }
0xaa: {  	[dreg:$0x4] =	wrdreg $0xC0  }
0xab: {  	_ =	task [dreg:s7], $0x5FFFF  }
0xac: {  	[dreg:$0x1] =	wrdreg $0xFFFFFFFF  }
0xad: {  	[dreg:$0x0] =	wrdreg $0x60  }
0xae: {  	[dreg:$0x2] =	wrdreg s24  }
0xaf: {  	[dreg:$0x3] =	wrdreg s2  }
0xb0: {  	[dreg:$0x4] =	wrdreg $0x9  }
0xb1: {  	_ =	task.clear_ibuf [dreg:s7], $0x5FFFF;
	_ =	strace $0x90000046  }
0xb2: {  	s29 =	simm.s32 $0x9;
	_ =	strace $0x80000048  }
0xb3: {  	_ =	swait.ge [sflag:s29], $0x1  }
0xb4: {  	[sflag:s29] =	ssyncadd.s32 $0xFFFFFFFF  }
0xb5: {  	_ =	strace $0x90000048  }
0xb6: {  	_ =	sfence  }
0xb7: {  	s30 =	sld [smem:$0x0];
	_ =	sdelay $0x2  }
0xb8: {  	s31 =	sshll.u32 s1, $0xD;
	s1 =	sshrl.u32 s1, $0x2  }
0xb9: {  	s3 =	sand.u32 $0x4000, s31;
	s1 =	sadd.s32 s1, s30  }
0xba: {  	s0 =	sor.u32 s3, s0;
	s1 =	sshll.u32 s1, $0x11  }
0xbb: {  	s0 =	sor.u32 s1, s0  }
0xbc: {  	s0 =	sadd.s32 $0x8F2B, s0  }
0xbd: {  	[sflag:s0] =	ssyncadd.remote.s32 $0x1  }
0xbe: {  	_ =	sfence.sel $0xFFFF  }
0xbf: {  	[dreg:$0x0] =	wrdreg $0xFFFFFFFF;
	(pc) =	sbr.abs _section_cstart, $3  }
0xc0: {  	[dreg:$0x1] =	wrdreg $0xFFFFFFFF  }
0xc1: {  	_ =	task.clear_ibuf [dreg:s7], $0x2FFFF;
	_ =	strace $0x9FFFFFFF  }
0xc2: {  	(tm) =	ssettm $0x7FFFFFFF  }
0xc3: {  	_ =	shalt  }
tec
execute0_lowered:
.L_overlay_start_1:
0x0: {  	(tag) =	ssettag $0x1  }
0x1: {  	s1 =	srdreg.scid  }
0x2: {  	s0 =	stileid.u32;
	s4 =	sand.u32 $0x1, s1  }
0x3: {  	s5 =	rddreg [dreg:$0x1];
	s2 =	sshll.u32 s0, $0x5;
	s3 =	sshll.u32 s4, $0x4  }
0x4: {  	s1 =	rddreg [dreg:$0x0];
	s3 =	sor.u32 s3, s2;
	s2 =	simm.s32 $0x0  }
0x5: {  	s23 =	simm.s32 $0x880;
	[smem:$0x7FF] =	sst s2  }
0x6: {  	s24 =	simm.s32 $0x1080;
	_ =	strace $0x80000047;
	[dreg:$0x6] =	wrdreg s23  }
0x7: {  	s25 =	simm.s32 $0x1880;
	[dreg:$0x7] =	wrdreg s24  }
0x8: {  	s26 =	simm.s32 $0x2080;
	[dreg:$0x8] =	wrdreg s25  }
0x9: {  	s0 =	simm.s32 $0x2880;
	[dreg:$0x9] =	wrdreg s26  }
0xa: {  	s8 =	simm.s32 $0x4880;
	[dreg:$0xa] =	wrdreg s0  }
0xb: {  	s9 =	simm.s32 $0x5080;
	[dreg:$0xe] =	wrdreg s8  }
0xc: {  	s10 =	simm.s32 $0x5880;
	[dreg:$0xf] =	wrdreg s9  }
0xd: {  	s11 =	simm.s32 $0x6080;
	[dreg:$0x10] =	wrdreg s10  }
0xe: {  	s12 =	simm.s32 $0x6880;
	[dreg:$0x11] =	wrdreg s11  }
0xf: {  	s13 =	simm.s32 $0x7080;
	s14 =	simm.s32 $0x7880;
	[dreg:$0x12] =	wrdreg s12  }
0x10: {  	s15 =	simm.s32 $0x8080;
	s16 =	simm.s32 $0x8880;
	[dreg:$0x13] =	wrdreg s13  }
0x11: {  	s17 =	simm.s32 $0x9080;
	s18 =	simm.s32 $0x9880;
	[dreg:$0x14] =	wrdreg s14  }
0x12: {  	s20 =	simm.s32 $0xA080;
	s21 =	simm.s32 $0xA880;
	[dreg:$0x15] =	wrdreg s15  }
0x13: {  	s28 =	simm.s32 $0x16880;
	s29 =	simm.s32 $0x17080;
	[dreg:$0x16] =	wrdreg s16  }
0x14: {  	s30 =	simm.s32 $0x17880;
	s4 =	ssub.s32 $0x2, s4;
	[dreg:$0x17] =	wrdreg s17  }
0x15: {  	s31 =	simm.s32 $0x1;
	s19 =	sshrl.u32 s4, $0x1;
	[dreg:$0x18] =	wrdreg s18  }
0x16: {  	s6 =	smul.u32 $0x1800, s3;
	s7 =	sadd.s32 s3, s1;
	[dreg:$0x19] =	wrdreg s20  }
0x17: {  	s3 =	smul.u32 $0x300, s3;
	s7 =	sadd.s32 $0xA00, s7;
	[dreg:$0x1a] =	wrdreg s21  }
0x18: {  	s23 =	simm.s32 $0xB880;
	s24 =	simm.s32 $0xC880;
	s25 =	simm.s32 $0xD080  }
0x19: {  	s8 =	simm.s32 $0x80;
	s26 =	simm.s32 $0xD880;
	s9 =	simm.s32 $0xC080  }
0x1a: {  	s11 =	simm.s32 $0xE880;
	s12 =	simm.s32 $0xF080;
	s13 =	simm.s32 $0xF880  }
0x1b: {  	s14 =	simm.s32 $0x10080;
	s15 =	simm.s32 $0x10880;
	[dreg:$0x3] =	wrdreg s7  }
0x1c: {  	s16 =	simm.s32 $0x11080;
	s17 =	simm.s32 $0x11880;
	[dreg:$0x1c] =	wrdreg s23  }
0x1d: {  	s18 =	simm.s32 $0x12080;
	s20 =	simm.s32 $0x13080;
	[dreg:$0x1d] =	wrdreg s24  }
0x1e: {  	s21 =	simm.s32 $0x13880;
	s6 =	sshrl.u32 s6, $0x3;
	[dreg:$0x1e] =	wrdreg s25  }
0x1f: {  	s3 =	sadd.s32 s5, s3;
	s7 =	simm.s32 $0x4080;
	[dreg:$0x1f] =	wrdreg s26  }
0x20: {  	s23 =	simm.s32 $0x14880;
	s24 =	simm.s32 $0x15080;
	s25 =	simm.s32 $0x15880  }
0x21: {  	s26 =	simm.s32 $0x16080;
	s5 =	sadd.s32 s5, s6;
	[dreg:$0x4] =	wrdreg s3  }
0x22: {  	s6 =	simm.s32 $0x3880;
	[dreg:$0xd] =	wrdreg s7;
	s3 =	sadd.s32 $0xE00, s1  }
0x23: {  	s7 =	simm.s32 $0x3;
	s22 =	sadd.s32 $0x1800, s5;
	[dreg:$0xc] =	wrdreg s6  }
0x24: {  	s5 =	simm.s32 $0x3080;
	s6 =	ssub.s32 s4, s19;
	[dreg:$0x5] =	wrdreg s22  }
0x25: {  	v2 =	vlaneseq.u32;
	s4 =	sadd.s32 $0xF00, s1;
	s19 =	simm.s32 $0x12880;
	[dreg:$0xb] =	wrdreg s5  }
0x26: {  	vm0 =	vmmov $0xffff;
	v1 =	vshrl.u32 v2, $0x3;
	s22 =	simm.s32 $0xB080;
	s5 =	sadd.s32 $0x1000, s1;
	s6 =	smax.u32 s6, $0x1  }
0x27: {  	v0 =	vand.u32 $0x7, v2;
	v2 =	vor.u32 $0x8, v2;
	v1 =	vmul.u32 $0x8, v1;
	s1 =	simm.s32 $0x2;
	[dreg:$0x1b] =	wrdreg s22;
	s22 =	simm.s32 $0x14080  }
.LBB2_1:
0x28: {  	s0 =	rddreg [dreg:$0x3]  }
0x29: {  	[tilespmem:s2], [sflag:$0x3] =	stream.linear.gather [hbm4b:s0+s2], $0x80, $0x38;
	[tilespmem:$0x18080] =	vst v63  }
0x2a: {  	_ =	swait.ge [sflag:s7], $0x80  }
0x2b: {  	[sflag:s7] =	ssyncset.done $0x0  }
0x2c: {  	[sflag:s7] =	ssyncadd.s32 $0xFFFFFF80  }
0x2d: {  	v3 =	vld [tilespmem:$0x0];
	_ =	sdelay $0x4  }
0x2e: {  	v4 =	vshrl.u32 v3, $0x3  }
0x2f: {  	v4 =	vmul.u32 $0x30, v4  }
0x30: {  	v3 =	vand.u32 $0x7, v3  }
0x31: {  	v3 =	vor.u32 v3, v4  }
0x32: {  	v4 =	vperm.xlane v3, v0;
	_ =	sdelay $0x1  }
0x33: {  	v4 =	vadd.s32 v1, v4;
	_ =	sdelay $0x3  }
0x34: {  	v3 =	vperm.xlane v3, v2  }
0x35: {  	[tilespmem:s8], [sflag:$0x1] =	stream.indirect_vreg.gather [hbm4b:s3+s2], $0x80, v4, vm0, $0xb8;
	[tilespmem:$0x18080] =	vst v63  }
0x36: {  	s0 =	rddreg [dreg:$0x6];
	v3 =	vadd.s32 v1, v3  }
0x37: {  	[tilespmem:s0], [sflag:$0x1] =	stream.indirect_vreg.gather [hbm4b:s4+s2], $0x80, v4, vm0, $0xb8;
	[tilespmem:$0x18080] =	vst v63  }
0x38: {  	s10 =	rddreg [dreg:$0x7]  }
0x39: {  	[tilespmem:s10], [sflag:$0x1] =	stream.indirect_vreg.gather [hbm4b:s5+s2], $0x80, v4, vm0, $0xb8;
	[tilespmem:$0x18080] =	vst v63  }
0x3a: {  	s0 =	rddreg [dreg:$0x8]  }
0x3b: {  	[tilespmem:s0], [sflag:$0x1] =	stream.indirect_vreg.gather [hbm4b:s3+s2], $0x80, v3, vm0, $0xb8;
	[tilespmem:$0x18080] =	vst v63  }
0x3c: {  	s10 =	rddreg [dreg:$0x9]  }
0x3d: {  	[tilespmem:s10], [sflag:$0x1] =	stream.indirect_vreg.gather [hbm4b:s4+s2], $0x80, v3, vm0, $0xb8;
	[tilespmem:$0x18080] =	vst v63  }
0x3e: {  	s0 =	rddreg [dreg:$0xa]  }
0x3f: {  	[tilespmem:s0], [sflag:$0x1] =	stream.indirect_vreg.gather [hbm4b:s5+s2], $0x80, v3, vm0, $0xb8;
	[tilespmem:$0x18080] =	vst v63  }
0x40: {  	v3 =	vld [tilespmem:$0x10];
	_ =	sdelay $0x4  }
0x41: {  	v57 =	vshrl.u32 v3, $0x3  }
0x42: {  	v4 =	vmul.u32 $0x30, v57  }
0x43: {  	v3 =	vand.u32 $0x7, v3  }
0x44: {  	v3 =	vor.u32 v3, v4  }
0x45: {  	v4 =	vperm.xlane v3, v0;
	_ =	sdelay $0x1  }
0x46: {  	v4 =	vadd.s32 v1, v4;
	_ =	sdelay $0x3  }
0x47: {  	s0 =	rddreg [dreg:$0xb];
	v3 =	vperm.xlane v3, v2  }
0x48: {  	[tilespmem:s0], [sflag:$0x1] =	stream.indirect_vreg.gather [hbm4b:s3+s2], $0x80, v4, vm0, $0xb8;
	[tilespmem:$0x18080] =	vst v63  }
0x49: {  	s10 =	rddreg [dreg:$0xc];
	v3 =	vadd.s32 v1, v3  }
0x4a: {  	[tilespmem:s10], [sflag:$0x1] =	stream.indirect_vreg.gather [hbm4b:s4+s2], $0x80, v4, vm0, $0xb8;
	[tilespmem:$0x18080] =	vst v63  }
0x4b: {  	s0 =	rddreg [dreg:$0xd]  }
0x4c: {  	[tilespmem:s0], [sflag:$0x1] =	stream.indirect_vreg.gather [hbm4b:s5+s2], $0x80, v4, vm0, $0xb8;
	[tilespmem:$0x18080] =	vst v63  }
0x4d: {  	s10 =	rddreg [dreg:$0xe]  }
0x4e: {  	[tilespmem:s10], [sflag:$0x1] =	stream.indirect_vreg.gather [hbm4b:s3+s2], $0x80, v3, vm0, $0xb8;
	[tilespmem:$0x18080] =	vst v63  }
0x4f: {  	s0 =	rddreg [dreg:$0xf]  }
0x50: {  	[tilespmem:s0], [sflag:$0x1] =	stream.indirect_vreg.gather [hbm4b:s4+s2], $0x80, v3, vm0, $0xb8;
	[tilespmem:$0x18080] =	vst v63  }
0x51: {  	s10 =	rddreg [dreg:$0x10]  }
0x52: {  	[tilespmem:s10], [sflag:$0x1] =	stream.indirect_vreg.gather [hbm4b:s5+s2], $0x80, v3, vm0, $0xb8;
	[tilespmem:$0x18080] =	vst v63  }
0x53: {  	v3 =	vld [tilespmem:$0x20];
	_ =	sdelay $0x4  }
0x54: {  	v58 =	vshrl.u32 v3, $0x3  }
0x55: {  	v4 =	vmul.u32 $0x30, v58  }
0x56: {  	v3 =	vand.u32 $0x7, v3  }
0x57: {  	v3 =	vor.u32 v3, v4  }
0x58: {  	v4 =	vperm.xlane v3, v0;
	_ =	sdelay $0x1  }
0x59: {  	v4 =	vadd.s32 v1, v4;
	_ =	sdelay $0x3  }
0x5a: {  	s0 =	rddreg [dreg:$0x11];
	v3 =	vperm.xlane v3, v2  }
0x5b: {  	[tilespmem:s0], [sflag:$0x1] =	stream.indirect_vreg.gather [hbm4b:s3+s2], $0x80, v4, vm0, $0xb8;
	[tilespmem:$0x18080] =	vst v63  }
0x5c: {  	s10 =	rddreg [dreg:$0x12];
	v3 =	vadd.s32 v1, v3  }
0x5d: {  	[tilespmem:s10], [sflag:$0x1] =	stream.indirect_vreg.gather [hbm4b:s4+s2], $0x80, v4, vm0, $0xb8;
	[tilespmem:$0x18080] =	vst v63  }
0x5e: {  	s0 =	rddreg [dreg:$0x13]  }
0x5f: {  	[tilespmem:s0], [sflag:$0x1] =	stream.indirect_vreg.gather [hbm4b:s5+s2], $0x80, v4, vm0, $0xb8;
	[tilespmem:$0x18080] =	vst v63  }
0x60: {  	s10 =	rddreg [dreg:$0x14]  }
0x61: {  	[tilespmem:s10], [sflag:$0x1] =	stream.indirect_vreg.gather [hbm4b:s3+s2], $0x80, v3, vm0, $0xb8;
	[tilespmem:$0x18080] =	vst v63  }
0x62: {  	s0 =	rddreg [dreg:$0x15]  }
0x63: {  	[tilespmem:s0], [sflag:$0x1] =	stream.indirect_vreg.gather [hbm4b:s4+s2], $0x80, v3, vm0, $0xb8;
	[tilespmem:$0x18080] =	vst v63  }
0x64: {  	s10 =	rddreg [dreg:$0x16]  }
0x65: {  	[tilespmem:s10], [sflag:$0x1] =	stream.indirect_vreg.gather [hbm4b:s5+s2], $0x80, v3, vm0, $0xb8;
	[tilespmem:$0x18080] =	vst v63  }
0x66: {  	v3 =	vld [tilespmem:$0x30];
	_ =	sdelay $0x4  }
0x67: {  	v59 =	vshrl.u32 v3, $0x3  }
0x68: {  	v4 =	vmul.u32 $0x30, v59  }
0x69: {  	v3 =	vand.u32 $0x7, v3  }
0x6a: {  	v3 =	vor.u32 v3, v4  }
0x6b: {  	v4 =	vperm.xlane v3, v0;
	_ =	sdelay $0x1  }
0x6c: {  	v4 =	vadd.s32 v1, v4;
	_ =	sdelay $0x3  }
0x6d: {  	s0 =	rddreg [dreg:$0x17];
	v3 =	vperm.xlane v3, v2  }
0x6e: {  	[tilespmem:s0], [sflag:$0x1] =	stream.indirect_vreg.gather [hbm4b:s3+s2], $0x80, v4, vm0, $0xb8;
	[tilespmem:$0x18080] =	vst v63  }
0x6f: {  	s10 =	rddreg [dreg:$0x18];
	v3 =	vadd.s32 v1, v3  }
0x70: {  	[tilespmem:s10], [sflag:$0x1] =	stream.indirect_vreg.gather [hbm4b:s4+s2], $0x80, v4, vm0, $0xb8;
	[tilespmem:$0x18080] =	vst v63  }
0x71: {  	s0 =	rddreg [dreg:$0x19]  }
0x72: {  	[tilespmem:s0], [sflag:$0x1] =	stream.indirect_vreg.gather [hbm4b:s5+s2], $0x80, v4, vm0, $0xb8;
	[tilespmem:$0x18080] =	vst v63  }
0x73: {  	s10 =	rddreg [dreg:$0x1a]  }
0x74: {  	[tilespmem:s10], [sflag:$0x1] =	stream.indirect_vreg.gather [hbm4b:s3+s2], $0x80, v3, vm0, $0xb8;
	[tilespmem:$0x18080] =	vst v63  }
0x75: {  	s0 =	rddreg [dreg:$0x1b]  }
0x76: {  	[tilespmem:s0], [sflag:$0x1] =	stream.indirect_vreg.gather [hbm4b:s4+s2], $0x80, v3, vm0, $0xb8;
	[tilespmem:$0x18080] =	vst v63  }
0x77: {  	s10 =	rddreg [dreg:$0x1c]  }
0x78: {  	[tilespmem:s10], [sflag:$0x1] =	stream.indirect_vreg.gather [hbm4b:s5+s2], $0x80, v3, vm0, $0xb8;
	[tilespmem:$0x18080] =	vst v63  }
0x79: {  	v3 =	vld [tilespmem:$0x40];
	_ =	sdelay $0x4  }
0x7a: {  	v60 =	vshrl.u32 v3, $0x3  }
0x7b: {  	v4 =	vmul.u32 $0x30, v60  }
0x7c: {  	v3 =	vand.u32 $0x7, v3  }
0x7d: {  	v3 =	vor.u32 v3, v4  }
0x7e: {  	v4 =	vperm.xlane v3, v0;
	_ =	sdelay $0x1  }
0x7f: {  	v4 =	vadd.s32 v1, v4;
	_ =	sdelay $0x3  }
0x80: {  	v3 =	vperm.xlane v3, v2  }
0x81: {  	[tilespmem:s9], [sflag:$0x1] =	stream.indirect_vreg.gather [hbm4b:s3+s2], $0x80, v4, vm0, $0xb8;
	[tilespmem:$0x18080] =	vst v63  }
0x82: {  	s0 =	rddreg [dreg:$0x1d];
	v3 =	vadd.s32 v1, v3  }
0x83: {  	[tilespmem:s0], [sflag:$0x1] =	stream.indirect_vreg.gather [hbm4b:s4+s2], $0x80, v4, vm0, $0xb8;
	[tilespmem:$0x18080] =	vst v63  }
0x84: {  	s10 =	rddreg [dreg:$0x1e]  }
0x85: {  	[tilespmem:s10], [sflag:$0x1] =	stream.indirect_vreg.gather [hbm4b:s5+s2], $0x80, v4, vm0, $0xb8;
	[tilespmem:$0x18080] =	vst v63  }
0x86: {  	s0 =	rddreg [dreg:$0x1f]  }
0x87: {  	[tilespmem:s0], [sflag:$0x1] =	stream.indirect_vreg.gather [hbm4b:s3+s2], $0x80, v3, vm0, $0xb8;
	[tilespmem:$0x18080] =	vst v63  }
0x88: {  	s10 =	simm.s32 $0xE080  }
0x89: {  	[tilespmem:s10], [sflag:$0x1] =	stream.indirect_vreg.gather [hbm4b:s4+s2], $0x80, v3, vm0, $0xb8;
	[tilespmem:$0x18080] =	vst v63  }
0x8a: {  	_ = 	snop  }
0x8b: {  	[tilespmem:s11], [sflag:$0x1] =	stream.indirect_vreg.gather [hbm4b:s5+s2], $0x80, v3, vm0, $0xb8;
	[tilespmem:$0x18080] =	vst v63  }
0x8c: {  	v3 =	vld [tilespmem:$0x50];
	_ =	sdelay $0x4  }
0x8d: {  	v61 =	vshrl.u32 v3, $0x3  }
0x8e: {  	v4 =	vmul.u32 $0x30, v61  }
0x8f: {  	v3 =	vand.u32 $0x7, v3  }
0x90: {  	v3 =	vor.u32 v3, v4  }
0x91: {  	v4 =	vperm.xlane v3, v0;
	_ =	sdelay $0x1  }
0x92: {  	v4 =	vadd.s32 v1, v4;
	_ =	sdelay $0x3  }
0x93: {  	v3 =	vperm.xlane v3, v2  }
0x94: {  	[tilespmem:s12], [sflag:$0x1] =	stream.indirect_vreg.gather [hbm4b:s3+s2], $0x80, v4, vm0, $0xb8;
	[tilespmem:$0x18080] =	vst v63  }
0x95: {  	v3 =	vadd.s32 v1, v3  }
0x96: {  	[tilespmem:s13], [sflag:$0x1] =	stream.indirect_vreg.gather [hbm4b:s4+s2], $0x80, v4, vm0, $0xb8;
	[tilespmem:$0x18080] =	vst v63  }
0x97: {  	_ = 	snop  }
0x98: {  	[tilespmem:s14], [sflag:$0x1] =	stream.indirect_vreg.gather [hbm4b:s5+s2], $0x80, v4, vm0, $0xb8;
	[tilespmem:$0x18080] =	vst v63  }
0x99: {  	_ = 	snop  }
0x9a: {  	[tilespmem:s15], [sflag:$0x1] =	stream.indirect_vreg.gather [hbm4b:s3+s2], $0x80, v3, vm0, $0xb8;
	[tilespmem:$0x18080] =	vst v63  }
0x9b: {  	_ = 	snop  }
0x9c: {  	[tilespmem:s16], [sflag:$0x1] =	stream.indirect_vreg.gather [hbm4b:s4+s2], $0x80, v3, vm0, $0xb8;
	[tilespmem:$0x18080] =	vst v63  }
0x9d: {  	_ = 	snop  }
0x9e: {  	[tilespmem:s17], [sflag:$0x1] =	stream.indirect_vreg.gather [hbm4b:s5+s2], $0x80, v3, vm0, $0xb8;
	[tilespmem:$0x18080] =	vst v63  }
0x9f: {  	v3 =	vld [tilespmem:$0x60];
	_ =	sdelay $0x4  }
0xa0: {  	v62 =	vshrl.u32 v3, $0x3  }
0xa1: {  	v4 =	vmul.u32 $0x30, v62  }
0xa2: {  	v3 =	vand.u32 $0x7, v3  }
0xa3: {  	v3 =	vor.u32 v3, v4  }
0xa4: {  	v4 =	vperm.xlane v3, v0;
	_ =	sdelay $0x1  }
0xa5: {  	v4 =	vadd.s32 v1, v4;
	_ =	sdelay $0x3  }
0xa6: {  	v3 =	vperm.xlane v3, v2  }
0xa7: {  	[tilespmem:s18], [sflag:$0x1] =	stream.indirect_vreg.gather [hbm4b:s3+s2], $0x80, v4, vm0, $0xb8;
	[tilespmem:$0x18080] =	vst v63  }
0xa8: {  	v3 =	vadd.s32 v1, v3  }
0xa9: {  	[tilespmem:s19], [sflag:$0x1] =	stream.indirect_vreg.gather [hbm4b:s4+s2], $0x80, v4, vm0, $0xb8;
	[tilespmem:$0x18080] =	vst v63  }
0xaa: {  	_ = 	snop  }
0xab: {  	[tilespmem:s20], [sflag:$0x1] =	stream.indirect_vreg.gather [hbm4b:s5+s2], $0x80, v4, vm0, $0xb8;
	[tilespmem:$0x18080] =	vst v63  }
0xac: {  	_ = 	snop  }
0xad: {  	[tilespmem:s21], [sflag:$0x1] =	stream.indirect_vreg.gather [hbm4b:s3+s2], $0x80, v3, vm0, $0xb8;
	[tilespmem:$0x18080] =	vst v63  }
0xae: {  	_ = 	snop  }
0xaf: {  	[tilespmem:s22], [sflag:$0x1] =	stream.indirect_vreg.gather [hbm4b:s4+s2], $0x80, v3, vm0, $0xb8;
	[tilespmem:$0x18080] =	vst v63  }
0xb0: {  	_ = 	snop  }
0xb1: {  	[tilespmem:s23], [sflag:$0x1] =	stream.indirect_vreg.gather [hbm4b:s5+s2], $0x80, v3, vm0, $0xb8;
	[tilespmem:$0x18080] =	vst v63  }
0xb2: {  	v3 =	vld [tilespmem:$0x70];
	_ =	sdelay $0x4  }
0xb3: {  	v63 =	vshrl.u32 v3, $0x3  }
0xb4: {  	v4 =	vmul.u32 $0x30, v63  }
0xb5: {  	v3 =	vand.u32 $0x7, v3  }
0xb6: {  	v3 =	vor.u32 v3, v4  }
0xb7: {  	v4 =	vperm.xlane v3, v0;
	_ =	sdelay $0x1  }
0xb8: {  	v4 =	vadd.s32 v1, v4;
	_ =	sdelay $0x3  }
0xb9: {  	v3 =	vperm.xlane v3, v2  }
0xba: {  	[tilespmem:s24], [sflag:$0x1] =	stream.indirect_vreg.gather [hbm4b:s3+s2], $0x80, v4, vm0, $0xb8;
	[tilespmem:$0x18080] =	vst v63  }
0xbb: {  	v3 =	vadd.s32 v1, v3  }
0xbc: {  	[tilespmem:s25], [sflag:$0x1] =	stream.indirect_vreg.gather [hbm4b:s4+s2], $0x80, v4, vm0, $0xb8;
	[tilespmem:$0x18080] =	vst v63  }
0xbd: {  	_ = 	snop  }
0xbe: {  	[tilespmem:s26], [sflag:$0x1] =	stream.indirect_vreg.gather [hbm4b:s5+s2], $0x80, v4, vm0, $0xb8;
	[tilespmem:$0x18080] =	vst v63  }
0xbf: {  	_ = 	snop  }
0xc0: {  	[tilespmem:s28], [sflag:$0x1] =	stream.indirect_vreg.gather [hbm4b:s3+s2], $0x80, v3, vm0, $0xb8;
	[tilespmem:$0x18080] =	vst v63  }
0xc1: {  	_ = 	snop  }
0xc2: {  	[tilespmem:s29], [sflag:$0x1] =	stream.indirect_vreg.gather [hbm4b:s4+s2], $0x80, v3, vm0, $0xb8;
	[tilespmem:$0x18080] =	vst v63  }
0xc3: {  	_ = 	snop  }
0xc4: {  	[tilespmem:s30], [sflag:$0x1] =	stream.indirect_vreg.gather [hbm4b:s5+s2], $0x80, v3, vm0, $0xb8;
	[tilespmem:$0x18080] =	vst v63  }
0xc5: {  	_ =	swait.ge [sflag:s31], $0xC000  }
0xc6: {  	[sflag:s31] =	ssyncset.done $0x0  }
0xc7: {  	s10 =	rddreg [dreg:$0x4];
	[sflag:s31] =	ssyncadd.s32 $0xFFFF4000  }
0xc8: {  	[hbm4b:s10+s2] =	stream.linear.scatter [tilespmem:s8], [sflag:$0x2], $0xC000, $0x38;
	[tilespmem:$0x18080] =	vst v63  }
0xc9: {  	_ =	swait.ge [sflag:s31], $0xC000  }
0xca: {  	[sflag:s31] =	ssyncset.done $0x0  }
0xcb: {  	s10 =	rddreg [dreg:$0x5];
	[sflag:s31] =	ssyncadd.s32 $0xFFFF4000  }
0xcc: {  	[hbm4b:s10+s2] =	stream.linear.scatter [tilespmem:s9], [sflag:$0x2], $0xC000, $0x38;
	[tilespmem:$0x18080] =	vst v63  }
0xcd: {  	p0 =	sne.s32 s6, $0x1;
	_ =	swait.ge [sflag:s1], $0xC000  }
.Ltmp0:
0xce: {  	[sflag:s1] =	ssyncset.done $0x0;
	(pc) =	sbr.rel @p0 .LBB2_1-.Ltmp0, $4  }
0xcf: {  	[sflag:s1] =	ssyncadd.s32 $0xFFFF4000  }
0xd0: {  	_ =	swait.ge [sflag:s1], $0xC000  }
0xd1: {  	[sflag:s1] =	ssyncset.done $0x0  }
0xd2: {  	s6 =	sadd.s32 $0xFFFFFFFF, s6;
	[sflag:s1] =	ssyncadd.s32 $0xFFFF4000  }
0xd3: {  	_ =	sfence.sel $0x180000  }
0xd4: {  	[bflag:$0x0] =	sbarrier.arrive $0xFFFF  }
0xd5: {  	_ =	strace $0x90000047  }
0xd6: {  	s0 =	stileid.u32;
	[bflag:$0x2] =	sbarrier.arrive $0xFFFF  }
0xd7: {  	p0 =	sne.s32 s0, $0x0;
	s0 =	rddreg [dreg:$0x2]  }
0xd8: {  	s0 =	sadd.s32 @!p0 $0x100000, s0  }
0xd9: {  	[sflag:s0] =	ssyncadd.tile.s32 @!p0 $0x1;
	_ =	shalt  }
.Lfunc_end2:
_tile_overlayer_lowered:
.L_overlay_start_2:
0xda: {  	(tag) =	ssettag $0x2  }
0xdb: {  	s0 =	rddreg [dreg:$0x0];
	s2 =	stileid.u32  }
0xdc: {  	s1 =	rddreg [dreg:$0x1];
	p0 =	sne.s32 s2, $0x0  }
0xdd: {  	s3 =	rddreg [dreg:$0x2];
	[bflag:$0x3] =	sbarrier.arrive $0xFFFF;
	s2 =	simm.s32 @!p0 $0x1C03  }
0xde: {  	[timem:s3], [sflag:s2] =	dma.local @!p0 [hbm:s0], s1  }
0xdf: {  	s0 =	simm.s32 @!p0 $0x3  }
0xe0: {  	_ =	swait.ge @!p0 [sflag:s0], s1  }
0xe1: {  	s1 =	ssub.s32 @!p0 $0x0, s1;
	[sflag:s0] =	ssyncset.done @!p0 $0x0  }
0xe2: {  	[sflag:s0] =	ssyncadd.s32 @!p0 s1  }
0xe3: {  	[bflag:$0x3] =	sbarrier.arrive $0xFFFF  }
0xe4: {  	_ =	shalt  }

</sc_bundles>
